<compile_context>
chip_gen: v7x
topology: tpu7x:2x2x1
jax: 0.10.2.dev20260603
libtpu: 0.0.44.dev20260713+nightly
codegen_flags: <defaults>
</compile_context>

<pallas_src>
import functools

import jax
import jax.numpy as jnp
from jax import lax
from jax.experimental import pallas as pl
from jax.experimental.pallas import tpu as pltpu
from jax.experimental.pallas import tpu_sc as plsc

ROWS = 8192
DIM = 128
NC = 2
NS = 16
NW = NC * NS
CHUNK = 128


def _emb_kernel(n_idx, table_hbm, idx_hbm, out_hbm, table_sh, idx_v, buf_a,
                buf_b, g_a, g_b, s_a, s_b):
    cid = lax.axis_index("c")
    sid = lax.axis_index("s")
    wid = cid * NS + sid

    per_w = n_idx // NW
    n_chunk = per_w // CHUNK
    rows_per_tile = ROWS // NS

    pltpu.sync_copy(table_hbm.at[pl.ds(sid * rows_per_tile, rows_per_tile)],
                    table_sh.at[pl.ds(sid * rows_per_tile, rows_per_tile)])
    pltpu.sync_copy(idx_hbm.at[pl.ds(wid * (per_w // CHUNK), per_w // CHUNK)],
                    idx_v)
    plsc.subcore_barrier()

    base = wid * per_w

    def gather(ci, buf, sem):
        return pltpu.async_copy(table_sh.at[idx_v.at[ci]], buf, sem)

    def store(ci, buf, sem):
        return pltpu.async_copy(buf, out_hbm.at[pl.ds(base + ci * CHUNK,
                                                      CHUNK)], sem)

    gather(0, buf_a, g_a)
    gather(1, buf_b, g_b)

    def body(g, carry):
        c0 = 2 * g
        pltpu.make_async_copy(table_sh.at[idx_v.at[c0]], buf_a, g_a).wait()
        sa = store(c0, buf_a, s_a)
        pltpu.make_async_copy(table_sh.at[idx_v.at[c0 + 1]], buf_b, g_b).wait()
        sb = store(c0 + 1, buf_b, s_b)
        sa.wait()
        gather(c0 + 2, buf_a, g_a)
        sb.wait()
        gather(c0 + 3, buf_b, g_b)
        return carry

    lax.fori_loop(0, n_chunk // 2 - 1, body, 0)

    last = n_chunk - 2
    pltpu.make_async_copy(table_sh.at[idx_v.at[last]], buf_a, g_a).wait()
    sa = store(last, buf_a, s_a)
    pltpu.make_async_copy(table_sh.at[idx_v.at[last + 1]], buf_b, g_b).wait()
    sb = store(last + 1, buf_b, s_b)
    sa.wait()
    sb.wait()


@functools.partial(jax.jit, static_argnums=(2,))
def _run(table, idx2d, n_idx):
    mesh = plsc.VectorSubcoreMesh(core_axis_name="c", subcore_axis_name="s")
    k = functools.partial(
        pl.kernel,
        mesh=mesh,
        out_type=jax.ShapeDtypeStruct((n_idx, DIM), jnp.float32),
        scratch_types=[
            pltpu.VMEM_SHARED((ROWS, DIM), jnp.float32),
            pltpu.VMEM((n_idx // NW // CHUNK, CHUNK), jnp.int32),
            pltpu.VMEM((CHUNK, DIM), jnp.float32),
            pltpu.VMEM((CHUNK, DIM), jnp.float32),
            pltpu.SemaphoreType.DMA,
            pltpu.SemaphoreType.DMA,
            pltpu.SemaphoreType.DMA,
            pltpu.SemaphoreType.DMA,
        ],
    )(functools.partial(_emb_kernel, n_idx))
    return k(table, idx2d)


def kernel(data, table):
    shape = data.shape
    idx = data.reshape(-1).astype(jnp.int32)
    n_idx = idx.shape[0]
    idx2d = idx.reshape(n_idx // CHUNK, CHUNK)
    out = _run(table, idx2d, n_idx)
    return out.reshape(*shape, DIM)

# --- scband reference (transcript-rebuilt; emitter-appended) ---
"""Pipeline reference for scband-pos-embeder-57011395887529 (READ-ONLY COPY).

The authoritative reference and input builder live on the scoring server;
editing this copy changes nothing except your own understanding.
"""

import jax, jax.numpy as jnp
import numpy as np

MAX_SEQ_LEN = 8192
EMB_DIM = 128
PADDING_IDX = 0


def get_sinusoid_encoding_table(n_position, d_hid, padding_idx=0):
    pos = np.arange(n_position, dtype=np.float64)[:, None]
    hid = np.arange(d_hid, dtype=np.float64)[None, :]
    angle = pos / np.power(10000.0, 2.0 * np.floor(hid / 2.0) / d_hid)
    table = angle.copy()
    table[:, 0::2] = np.sin(angle[:, 0::2])
    table[:, 1::2] = np.cos(angle[:, 1::2])
    if padding_idx is not None:
        table[padding_idx] = 0.0
    return jnp.asarray(table, dtype=jnp.float32)


def setup_inputs(seed: int = 0) -> dict:
    key = jax.random.key(seed)
    data = jax.random.randint(key, (4096, 200), 0, MAX_SEQ_LEN, dtype=jnp.int64 if jax.config.jax_enable_x64 else jnp.int32)
    table = get_sinusoid_encoding_table(MAX_SEQ_LEN, EMB_DIM, PADDING_IDX)
    return {"data": data, "table": table}


def reference(data, table):
    # nn.Embedding lookup: gather rows of the (frozen) sinusoid table
    embedding = jnp.take(table, data, axis=0)
    return embedding

if __name__ == "__main__":
    import jax
    _d = setup_inputs()
    print(jax.jit(kernel)(*tuple(_d.values())))

</pallas_src>

<mosaic_0001>
#map = affine_map<(d0, d1) -> (0, 0)>
module attributes {stable_mosaic.version = 14 : i64} {
  func.func @_emb_kernel(%arg0: i32, %arg1: i32, %arg2: memref<8192x128xf32, #tpu.memory_space<hbm>>, %arg3: memref<6400x128xi32, #tpu.memory_space<hbm>>, %arg4: memref<819200x128xf32, #tpu.memory_space<hbm>>, %arg5: memref<8192x128xf32, #tpu.memory_space<vmem_shared>>, %arg6: memref<200x128xi32, #tpu.memory_space<vmem>>, %arg7: memref<128x128xf32, #tpu.memory_space<vmem>>, %arg8: memref<128x128xf32, #tpu.memory_space<vmem>>, %arg9: memref<!tpu.dma_semaphore, #tpu.memory_space<semaphore_mem>>, %arg10: memref<!tpu.dma_semaphore, #tpu.memory_space<semaphore_mem>>, %arg11: memref<!tpu.dma_semaphore, #tpu.memory_space<semaphore_mem>>, %arg12: memref<!tpu.dma_semaphore, #tpu.memory_space<semaphore_mem>>) attributes {dimension_semantics = [#tpu.dimension_semantics<core_parallel>, #tpu.dimension_semantics<subcore_parallel>], iteration_bounds = array<i64: 2, 16>, scalar_prefetch = 0 : i64, scratch_operands = 8 : i64, tpu.core_type = #tpu.core_type<sc_vector_subcore>, window_params = [{transform_indices = #map}, {transform_indices = #map}, {transform_indices = #map}]} {
    %mul3A = arith.constant 16 : i32
    %mul3A_0 = arith.muli %arg0, %mul3A : i32
    %add3A = arith.addi %mul3A_0, %arg1 : i32
    %mul3A_1 = arith.constant 512 : i32
    %mul3A_2 = arith.muli %arg1, %mul3A_1 : i32
    %mul3A_3 = arith.constant 512 : i32
    %mul3A_4 = arith.muli %arg1, %mul3A_3 : i32
    "tpu.region"() ({
      %run_scoped3A = tpu.sem_alloc : memref<!tpu.dma_semaphore, #tpu.memory_space<semaphore_mem>>
      %dma_start3A_60 = arith.constant 0 : i32
      %dma_start3A_61 = tpu.memref_slice %arg5[%mul3A_4, %dma_start3A_60] : memref<8192x128xf32, #tpu.memory_space<vmem_shared>> -> memref<512x128xf32, #tpu.memory_space<vmem_shared>>
      %dma_start3A_62 = arith.constant 0 : i32
      %dma_start3A_63 = tpu.memref_slice %arg2[%mul3A_2, %dma_start3A_62] : memref<8192x128xf32, #tpu.memory_space<hbm>> -> memref<512x128xf32, #tpu.memory_space<hbm>>
      tpu.enqueue_dma source(%dma_start3A_63 : memref<512x128xf32, #tpu.memory_space<hbm>>) target(%dma_start3A_61 : memref<512x128xf32, #tpu.memory_space<vmem_shared>>) target_semaphore(%run_scoped3A : memref<!tpu.dma_semaphore, #tpu.memory_space<semaphore_mem>>)
      %dma_wait3A_64 = arith.constant 0 : i32
      %dma_wait3A_65 = tpu.memref_slice %arg5[%mul3A_4, %dma_wait3A_64] : memref<8192x128xf32, #tpu.memory_space<vmem_shared>> -> memref<512x128xf32, #tpu.memory_space<vmem_shared>>
      %dma_wait3A_66 = arith.constant 0 : i32
      %dma_wait3A_67 = tpu.memref_slice %arg2[%mul3A_2, %dma_wait3A_66] : memref<8192x128xf32, #tpu.memory_space<hbm>> -> memref<512x128xf32, #tpu.memory_space<hbm>>
      tpu.wait_dma2 semaphore(%run_scoped3A : memref<!tpu.dma_semaphore, #tpu.memory_space<semaphore_mem>>) src(%dma_wait3A_67 : memref<512x128xf32, #tpu.memory_space<hbm>>) dst(%dma_wait3A_65 : memref<512x128xf32, #tpu.memory_space<vmem_shared>>)
      tpu.yield
    }) : () -> ()
    %mul3A_5 = arith.constant 200 : i32
    %mul3A_6 = arith.muli %add3A, %mul3A_5 : i32
    "tpu.region"() ({
      %run_scoped3A = tpu.sem_alloc : memref<!tpu.dma_semaphore, #tpu.memory_space<semaphore_mem>>
      %dma_start3A_60 = arith.constant 0 : i32
      %dma_start3A_61 = tpu.memref_slice %arg3[%mul3A_6, %dma_start3A_60] : memref<6400x128xi32, #tpu.memory_space<hbm>> -> memref<200x128xi32, #tpu.memory_space<hbm>>
      %dma_start3A_62 = arith.constant 0 : i32
      %dma_start3A_63 = tpu.memref_slice %arg3[%mul3A_6, %dma_start3A_62] : memref<6400x128xi32, #tpu.memory_space<hbm>> -> memref<200x128xi32, #tpu.memory_space<hbm>>
      tpu.enqueue_dma source(%dma_start3A_63 : memref<200x128xi32, #tpu.memory_space<hbm>>) target(%arg6 : memref<200x128xi32, #tpu.memory_space<vmem>>) target_semaphore(%run_scoped3A : memref<!tpu.dma_semaphore, #tpu.memory_space<semaphore_mem>>)
      %dma_wait3A_64 = arith.constant 0 : i32
      %dma_wait3A_65 = tpu.memref_slice %arg3[%mul3A_6, %dma_wait3A_64] : memref<6400x128xi32, #tpu.memory_space<hbm>> -> memref<200x128xi32, #tpu.memory_space<hbm>>
      %dma_wait3A_66 = arith.constant 0 : i32
      %dma_wait3A_67 = tpu.memref_slice %arg3[%mul3A_6, %dma_wait3A_66] : memref<6400x128xi32, #tpu.memory_space<hbm>> -> memref<200x128xi32, #tpu.memory_space<hbm>>
      tpu.wait_dma2 semaphore(%run_scoped3A : memref<!tpu.dma_semaphore, #tpu.memory_space<semaphore_mem>>) src(%dma_wait3A_67 : memref<200x128xi32, #tpu.memory_space<hbm>>) dst(%arg6 : memref<200x128xi32, #tpu.memory_space<vmem>>)
      tpu.yield
    }) : () -> ()
    %barrier3A = arith.constant 0 : index
    tpu.barrier barrier_id(%barrier3A)
    %mul3A_7 = arith.constant 25600 : i32
    %mul3A_8 = arith.muli %add3A, %mul3A_7 : i32
    %dma_start3A = arith.constant 0 : i32
    %dma_start3A_9 = arith.constant 0 : i32
    %dma_start3A_10 = tpu.memref_slice %arg6[%dma_start3A, %dma_start3A_9] : memref<200x128xi32, #tpu.memory_space<vmem>> -> memref<1x128xi32, #tpu.memory_space<vmem>>
    %dma_start3A_11 = tpu.memref_squeeze %dma_start3A_10 : memref<1x128xi32, #tpu.memory_space<vmem>> -> memref<128xi32, #tpu.memory_space<vmem>>
    %dma_start3A_12 = arith.constant 0 : i32
    %dma_start3A_13 = arith.constant 0 : i32
    %dma_start3A_14 = tpu.memref_slice %arg5[%dma_start3A_12, %dma_start3A_13] : memref<8192x128xf32, #tpu.memory_space<vmem_shared>> -> memref<8192x128xf32, #tpu.memory_space<vmem_shared>>
    tpu.enqueue_indirect_dma source(%dma_start3A_14 : memref<8192x128xf32, #tpu.memory_space<vmem_shared>>) target(%arg7 : memref<128x128xf32, #tpu.memory_space<vmem>>) offsets(%dma_start3A_11 : memref<128xi32, #tpu.memory_space<vmem>>) semaphore(%arg9 : memref<!tpu.dma_semaphore, #tpu.memory_space<semaphore_mem>>)
    %dma_start3A_15 = arith.constant 1 : i32
    %dma_start3A_16 = arith.constant 0 : i32
    %dma_start3A_17 = tpu.memref_slice %arg6[%dma_start3A_15, %dma_start3A_16] : memref<200x128xi32, #tpu.memory_space<vmem>> -> memref<1x128xi32, #tpu.memory_space<vmem>>
    %dma_start3A_18 = tpu.memref_squeeze %dma_start3A_17 : memref<1x128xi32, #tpu.memory_space<vmem>> -> memref<128xi32, #tpu.memory_space<vmem>>
    %dma_start3A_19 = arith.constant 0 : i32
    %dma_start3A_20 = arith.constant 0 : i32
    %dma_start3A_21 = tpu.memref_slice %arg5[%dma_start3A_19, %dma_start3A_20] : memref<8192x128xf32, #tpu.memory_space<vmem_shared>> -> memref<8192x128xf32, #tpu.memory_space<vmem_shared>>
    tpu.enqueue_indirect_dma source(%dma_start3A_21 : memref<8192x128xf32, #tpu.memory_space<vmem_shared>>) target(%arg8 : memref<128x128xf32, #tpu.memory_space<vmem>>) offsets(%dma_start3A_18 : memref<128xi32, #tpu.memory_space<vmem>>) semaphore(%arg10 : memref<!tpu.dma_semaphore, #tpu.memory_space<semaphore_mem>>)
    %scan3A = arith.constant 0 : i32
    %scan3A_22 = arith.constant 0 : i32
    %scan3A_23 = arith.constant 99 : i32
    %scan3A_24 = arith.addi %scan3A_22, %scan3A_23 : i32
    %scan3A_25 = arith.constant 1 : i32
    scf.for %scan3A_60 = %scan3A_22 to %scan3A_24 step %scan3A_25  : i32 {
      %mul3A_61 = arith.constant 2 : i32
      %mul3A_62 = arith.muli %mul3A_61, %scan3A_60 : i32
      %dma_wait3A_63 = arith.constant 0 : i32
      %dma_wait3A_64 = tpu.memref_slice %arg6[%mul3A_62, %dma_wait3A_63] : memref<200x128xi32, #tpu.memory_space<vmem>> -> memref<1x128xi32, #tpu.memory_space<vmem>>
      %dma_wait3A_65 = tpu.memref_squeeze %dma_wait3A_64 : memref<1x128xi32, #tpu.memory_space<vmem>> -> memref<128xi32, #tpu.memory_space<vmem>>
      %dma_wait3A_66 = arith.constant 0 : i32
      %dma_wait3A_67 = arith.constant 0 : i32
      %dma_wait3A_68 = tpu.memref_slice %arg5[%dma_wait3A_66, %dma_wait3A_67] : memref<8192x128xf32, #tpu.memory_space<vmem_shared>> -> memref<8192x128xf32, #tpu.memory_space<vmem_shared>>
      tpu.wait_indirect_dma semaphore(%arg9 : memref<!tpu.dma_semaphore, #tpu.memory_space<semaphore_mem>>) src(%dma_wait3A_68 : memref<8192x128xf32, #tpu.memory_space<vmem_shared>>) dst(%arg7 : memref<128x128xf32, #tpu.memory_space<vmem>>)
      %mul3A_69 = arith.constant 128 : i32
      %mul3A_70 = arith.muli %mul3A_62, %mul3A_69 : i32
      %add3A_71 = arith.addi %mul3A_8, %mul3A_70 : i32
      %dma_start3A_72 = arith.constant 0 : i32
      %dma_start3A_73 = tpu.memref_slice %arg4[%add3A_71, %dma_start3A_72] : memref<819200x128xf32, #tpu.memory_space<hbm>> -> memref<128x128xf32, #tpu.memory_space<hbm>>
      %dma_start3A_74 = arith.constant 0 : i32
      %dma_start3A_75 = tpu.memref_slice %arg4[%add3A_71, %dma_start3A_74] : memref<819200x128xf32, #tpu.memory_space<hbm>> -> memref<128x128xf32, #tpu.memory_space<hbm>>
      tpu.enqueue_dma source(%arg7 : memref<128x128xf32, #tpu.memory_space<vmem>>) target(%dma_start3A_75 : memref<128x128xf32, #tpu.memory_space<hbm>>) target_semaphore(%arg11 : memref<!tpu.dma_semaphore, #tpu.memory_space<semaphore_mem>>)
      %add3A_76 = arith.constant 1 : i32
      %add3A_77 = arith.addi %mul3A_62, %add3A_76 : i32
      %dma_wait3A_78 = arith.constant 0 : i32
      %dma_wait3A_79 = tpu.memref_slice %arg6[%add3A_77, %dma_wait3A_78] : memref<200x128xi32, #tpu.memory_space<vmem>> -> memref<1x128xi32, #tpu.memory_space<vmem>>
      %dma_wait3A_80 = tpu.memref_squeeze %dma_wait3A_79 : memref<1x128xi32, #tpu.memory_space<vmem>> -> memref<128xi32, #tpu.memory_space<vmem>>
      %dma_wait3A_81 = arith.constant 0 : i32
      %dma_wait3A_82 = arith.constant 0 : i32
      %dma_wait3A_83 = tpu.memref_slice %arg5[%dma_wait3A_81, %dma_wait3A_82] : memref<8192x128xf32, #tpu.memory_space<vmem_shared>> -> memref<8192x128xf32, #tpu.memory_space<vmem_shared>>
      tpu.wait_indirect_dma semaphore(%arg10 : memref<!tpu.dma_semaphore, #tpu.memory_space<semaphore_mem>>) src(%dma_wait3A_83 : memref<8192x128xf32, #tpu.memory_space<vmem_shared>>) dst(%arg8 : memref<128x128xf32, #tpu.memory_space<vmem>>)
      %add3A_84 = arith.constant 1 : i32
      %add3A_85 = arith.addi %mul3A_62, %add3A_84 : i32
      %mul3A_86 = arith.constant 128 : i32
      %mul3A_87 = arith.muli %add3A_85, %mul3A_86 : i32
      %add3A_88 = arith.addi %mul3A_8, %mul3A_87 : i32
      %dma_start3A_89 = arith.constant 0 : i32
      %dma_start3A_90 = tpu.memref_slice %arg4[%add3A_88, %dma_start3A_89] : memref<819200x128xf32, #tpu.memory_space<hbm>> -> memref<128x128xf32, #tpu.memory_space<hbm>>
      %dma_start3A_91 = arith.constant 0 : i32
      %dma_start3A_92 = tpu.memref_slice %arg4[%add3A_88, %dma_start3A_91] : memref<819200x128xf32, #tpu.memory_space<hbm>> -> memref<128x128xf32, #tpu.memory_space<hbm>>
      tpu.enqueue_dma source(%arg8 : memref<128x128xf32, #tpu.memory_space<vmem>>) target(%dma_start3A_92 : memref<128x128xf32, #tpu.memory_space<hbm>>) target_semaphore(%arg12 : memref<!tpu.dma_semaphore, #tpu.memory_space<semaphore_mem>>)
      %dma_wait3A_93 = arith.constant 0 : i32
      %dma_wait3A_94 = tpu.memref_slice %arg4[%add3A_71, %dma_wait3A_93] : memref<819200x128xf32, #tpu.memory_space<hbm>> -> memref<128x128xf32, #tpu.memory_space<hbm>>
      %dma_wait3A_95 = arith.constant 0 : i32
      %dma_wait3A_96 = tpu.memref_slice %arg4[%add3A_71, %dma_wait3A_95] : memref<819200x128xf32, #tpu.memory_space<hbm>> -> memref<128x128xf32, #tpu.memory_space<hbm>>
      tpu.wait_dma2 semaphore(%arg11 : memref<!tpu.dma_semaphore, #tpu.memory_space<semaphore_mem>>) src(%arg7 : memref<128x128xf32, #tpu.memory_space<vmem>>) dst(%dma_wait3A_96 : memref<128x128xf32, #tpu.memory_space<hbm>>)
      %add3A_97 = arith.constant 2 : i32
      %add3A_98 = arith.addi %mul3A_62, %add3A_97 : i32
      %dma_start3A_99 = arith.constant 0 : i32
      %dma_start3A_100 = tpu.memref_slice %arg6[%add3A_98, %dma_start3A_99] : memref<200x128xi32, #tpu.memory_space<vmem>> -> memref<1x128xi32, #tpu.memory_space<vmem>>
      %dma_start3A_101 = tpu.memref_squeeze %dma_start3A_100 : memref<1x128xi32, #tpu.memory_space<vmem>> -> memref<128xi32, #tpu.memory_space<vmem>>
      %dma_start3A_102 = arith.constant 0 : i32
      %dma_start3A_103 = arith.constant 0 : i32
      %dma_start3A_104 = tpu.memref_slice %arg5[%dma_start3A_102, %dma_start3A_103] : memref<8192x128xf32, #tpu.memory_space<vmem_shared>> -> memref<8192x128xf32, #tpu.memory_space<vmem_shared>>
      tpu.enqueue_indirect_dma source(%dma_start3A_104 : memref<8192x128xf32, #tpu.memory_space<vmem_shared>>) target(%arg7 : memref<128x128xf32, #tpu.memory_space<vmem>>) offsets(%dma_start3A_101 : memref<128xi32, #tpu.memory_space<vmem>>) semaphore(%arg9 : memref<!tpu.dma_semaphore, #tpu.memory_space<semaphore_mem>>)
      %dma_wait3A_105 = arith.constant 0 : i32
      %dma_wait3A_106 = tpu.memref_slice %arg4[%add3A_88, %dma_wait3A_105] : memref<819200x128xf32, #tpu.memory_space<hbm>> -> memref<128x128xf32, #tpu.memory_space<hbm>>
      %dma_wait3A_107 = arith.constant 0 : i32
      %dma_wait3A_108 = tpu.memref_slice %arg4[%add3A_88, %dma_wait3A_107] : memref<819200x128xf32, #tpu.memory_space<hbm>> -> memref<128x128xf32, #tpu.memory_space<hbm>>
      tpu.wait_dma2 semaphore(%arg12 : memref<!tpu.dma_semaphore, #tpu.memory_space<semaphore_mem>>) src(%arg8 : memref<128x128xf32, #tpu.memory_space<vmem>>) dst(%dma_wait3A_108 : memref<128x128xf32, #tpu.memory_space<hbm>>)
      %add3A_109 = arith.constant 3 : i32
      %add3A_110 = arith.addi %mul3A_62, %add3A_109 : i32
      %dma_start3A_111 = arith.constant 0 : i32
      %dma_start3A_112 = tpu.memref_slice %arg6[%add3A_110, %dma_start3A_111] : memref<200x128xi32, #tpu.memory_space<vmem>> -> memref<1x128xi32, #tpu.memory_space<vmem>>
      %dma_start3A_113 = tpu.memref_squeeze %dma_start3A_112 : memref<1x128xi32, #tpu.memory_space<vmem>> -> memref<128xi32, #tpu.memory_space<vmem>>
      %dma_start3A_114 = arith.constant 0 : i32
      %dma_start3A_115 = arith.constant 0 : i32
      %dma_start3A_116 = tpu.memref_slice %arg5[%dma_start3A_114, %dma_start3A_115] : memref<8192x128xf32, #tpu.memory_space<vmem_shared>> -> memref<8192x128xf32, #tpu.memory_space<vmem_shared>>
      tpu.enqueue_indirect_dma source(%dma_start3A_116 : memref<8192x128xf32, #tpu.memory_space<vmem_shared>>) target(%arg8 : memref<128x128xf32, #tpu.memory_space<vmem>>) offsets(%dma_start3A_113 : memref<128xi32, #tpu.memory_space<vmem>>) semaphore(%arg10 : memref<!tpu.dma_semaphore, #tpu.memory_space<semaphore_mem>>)
    }
    %scan3A_26 = arith.constant 99 : i32
    %dma_wait3A = arith.constant 198 : i32
    %dma_wait3A_27 = arith.constant 0 : i32
    %dma_wait3A_28 = tpu.memref_slice %arg6[%dma_wait3A, %dma_wait3A_27] : memref<200x128xi32, #tpu.memory_space<vmem>> -> memref<1x128xi32, #tpu.memory_space<vmem>>
    %dma_wait3A_29 = tpu.memref_squeeze %dma_wait3A_28 : memref<1x128xi32, #tpu.memory_space<vmem>> -> memref<128xi32, #tpu.memory_space<vmem>>
    %dma_wait3A_30 = arith.constant 0 : i32
    %dma_wait3A_31 = arith.constant 0 : i32
    %dma_wait3A_32 = tpu.memref_slice %arg5[%dma_wait3A_30, %dma_wait3A_31] : memref<8192x128xf32, #tpu.memory_space<vmem_shared>> -> memref<8192x128xf32, #tpu.memory_space<vmem_shared>>
    tpu.wait_indirect_dma semaphore(%arg9 : memref<!tpu.dma_semaphore, #tpu.memory_space<semaphore_mem>>) src(%dma_wait3A_32 : memref<8192x128xf32, #tpu.memory_space<vmem_shared>>) dst(%arg7 : memref<128x128xf32, #tpu.memory_space<vmem>>)
    %add3A_33 = arith.constant 25344 : i32
    %add3A_34 = arith.addi %mul3A_8, %add3A_33 : i32
    %dma_start3A_35 = arith.constant 0 : i32
    %dma_start3A_36 = tpu.memref_slice %arg4[%add3A_34, %dma_start3A_35] : memref<819200x128xf32, #tpu.memory_space<hbm>> -> memref<128x128xf32, #tpu.memory_space<hbm>>
    %dma_start3A_37 = arith.constant 0 : i32
    %dma_start3A_38 = tpu.memref_slice %arg4[%add3A_34, %dma_start3A_37] : memref<819200x128xf32, #tpu.memory_space<hbm>> -> memref<128x128xf32, #tpu.memory_space<hbm>>
    tpu.enqueue_dma source(%arg7 : memref<128x128xf32, #tpu.memory_space<vmem>>) target(%dma_start3A_38 : memref<128x128xf32, #tpu.memory_space<hbm>>) target_semaphore(%arg11 : memref<!tpu.dma_semaphore, #tpu.memory_space<semaphore_mem>>)
    %dma_wait3A_39 = arith.constant 199 : i32
    %dma_wait3A_40 = arith.constant 0 : i32
    %dma_wait3A_41 = tpu.memref_slice %arg6[%dma_wait3A_39, %dma_wait3A_40] : memref<200x128xi32, #tpu.memory_space<vmem>> -> memref<1x128xi32, #tpu.memory_space<vmem>>
    %dma_wait3A_42 = tpu.memref_squeeze %dma_wait3A_41 : memref<1x128xi32, #tpu.memory_space<vmem>> -> memref<128xi32, #tpu.memory_space<vmem>>
    %dma_wait3A_43 = arith.constant 0 : i32
    %dma_wait3A_44 = arith.constant 0 : i32
    %dma_wait3A_45 = tpu.memref_slice %arg5[%dma_wait3A_43, %dma_wait3A_44] : memref<8192x128xf32, #tpu.memory_space<vmem_shared>> -> memref<8192x128xf32, #tpu.memory_space<vmem_shared>>
    tpu.wait_indirect_dma semaphore(%arg10 : memref<!tpu.dma_semaphore, #tpu.memory_space<semaphore_mem>>) src(%dma_wait3A_45 : memref<8192x128xf32, #tpu.memory_space<vmem_shared>>) dst(%arg8 : memref<128x128xf32, #tpu.memory_space<vmem>>)
    %add3A_46 = arith.constant 25472 : i32
    %add3A_47 = arith.addi %mul3A_8, %add3A_46 : i32
    %dma_start3A_48 = arith.constant 0 : i32
    %dma_start3A_49 = tpu.memref_slice %arg4[%add3A_47, %dma_start3A_48] : memref<819200x128xf32, #tpu.memory_space<hbm>> -> memref<128x128xf32, #tpu.memory_space<hbm>>
    %dma_start3A_50 = arith.constant 0 : i32
    %dma_start3A_51 = tpu.memref_slice %arg4[%add3A_47, %dma_start3A_50] : memref<819200x128xf32, #tpu.memory_space<hbm>> -> memref<128x128xf32, #tpu.memory_space<hbm>>
    tpu.enqueue_dma source(%arg8 : memref<128x128xf32, #tpu.memory_space<vmem>>) target(%dma_start3A_51 : memref<128x128xf32, #tpu.memory_space<hbm>>) target_semaphore(%arg12 : memref<!tpu.dma_semaphore, #tpu.memory_space<semaphore_mem>>)
    %dma_wait3A_52 = arith.constant 0 : i32
    %dma_wait3A_53 = tpu.memref_slice %arg4[%add3A_34, %dma_wait3A_52] : memref<819200x128xf32, #tpu.memory_space<hbm>> -> memref<128x128xf32, #tpu.memory_space<hbm>>
    %dma_wait3A_54 = arith.constant 0 : i32
    %dma_wait3A_55 = tpu.memref_slice %arg4[%add3A_34, %dma_wait3A_54] : memref<819200x128xf32, #tpu.memory_space<hbm>> -> memref<128x128xf32, #tpu.memory_space<hbm>>
    tpu.wait_dma2 semaphore(%arg11 : memref<!tpu.dma_semaphore, #tpu.memory_space<semaphore_mem>>) src(%arg7 : memref<128x128xf32, #tpu.memory_space<vmem>>) dst(%dma_wait3A_55 : memref<128x128xf32, #tpu.memory_space<hbm>>)
    %dma_wait3A_56 = arith.constant 0 : i32
    %dma_wait3A_57 = tpu.memref_slice %arg4[%add3A_47, %dma_wait3A_56] : memref<819200x128xf32, #tpu.memory_space<hbm>> -> memref<128x128xf32, #tpu.memory_space<hbm>>
    %dma_wait3A_58 = arith.constant 0 : i32
    %dma_wait3A_59 = tpu.memref_slice %arg4[%add3A_47, %dma_wait3A_58] : memref<819200x128xf32, #tpu.memory_space<hbm>> -> memref<128x128xf32, #tpu.memory_space<hbm>>
    tpu.wait_dma2 semaphore(%arg12 : memref<!tpu.dma_semaphore, #tpu.memory_space<semaphore_mem>>) src(%arg8 : memref<128x128xf32, #tpu.memory_space<vmem>>) dst(%dma_wait3A_59 : memref<128x128xf32, #tpu.memory_space<hbm>>)
    return
  }
}

</mosaic_0001>

<sc_bundles>
// kernel: _run.3.cloned.1.call-start
scs
__scs_entry_jumppad:
0x0: {  	(pc) =	sbr.rel $0x88, $3  }
0x1: {  	(tag) =	ssettag $0x0;
	lr =	simm.s32 $0x1  }
0x2: {  	[smem:$0x3F9F] =	sst lr;
	_ =	strace $0xD0000000  }
0x3: {  	_ = 	snop  }
0x4: {  	_ = 	snop  }
0x5: {  	_ = 	snop  }
0x6: {  	_ = 	snop  }
0x7: {  	_ = 	snop  }
__scs_overlays_trampoline_lowered:
0x8: {  	[smem:$0x3FAE] =	sst s0  }
0x9: {  	[smem:$0x3FAF] =	sst s1  }
0xa: {  	[smem:$0x3FB0] =	sst s2  }
0xb: {  	[smem:$0x3FB1] =	sst s3  }
0xc: {  	[smem:$0x3FB2] =	sst s4  }
0xd: {  	[smem:$0x3FB3] =	sst s5  }
0xe: {  	[smem:$0x3FB4] =	sst s6  }
0xf: {  	[smem:$0x3FB5] =	sst s7  }
0x10: {  	[smem:$0x3FB6] =	sst s8  }
0x11: {  	[smem:$0x3FB7] =	sst s9;
	s0 =	simm.s32 @!p0 $0x0  }
0x12: {  	s1 =	sld [smem:$0x3F9D];
	s0 =	simm.s32 @p0 $0x1  }
0x13: {  	[smem:$0x3FB8] =	sst s0;
	s0 =	simm.s32 @!p1 $0x0  }
0x14: {  	s2 =	sld [smem:$0x3F9C];
	s0 =	simm.s32 @p1 $0x1  }
0x15: {  	[smem:$0x3FB9] =	sst s0;
	s0 =	simm.s32 @!p2 $0x0  }
0x16: {  	s3 =	sld [smem:$0x3FDB];
	s0 =	simm.s32 @p2 $0x1  }
0x17: {  	s4 =	simm.s32 $0x1BF5;
	[smem:$0x3FBB] =	sst s0  }
0x18: {  	s0 =	sld [smem:$0x3F9E];
	_ =	swait.ge [sflag:s4], $0x0  }
0x19: {  	s7 =	sld [smem:$0x3F9F]  }
0x1a: {  	s8 =	sadd.s32 $0xFFFFE003, lr  }
0x1b: {  	s9 =	sadd.s32 $0xFFFFFEF7, lr;
	s5 =	simm.s32 $0xFFFFFFFF;
	p2 =	slt.u32 s8, $0xFFFFF086  }
0x1c: {  	p1 =	slt.u32 s9, $0xF7A;
	s5 =	simm.s32 @!p2 $0x0  }
0x1d: {  	s5 =	simm.s32 @p1 $0x1;
	p0 =	seq.s32 s7, s2  }
0x1e: {  	s7 =	smul.u32 @!p0 $0xF7A, s2;
	p2 =	seq.s32 @!p0 s5, $0x0  }
0x1f: {  	s9 =	smul.u32 $0xF7A, s1;
	s8 =	simm.s32 @!p0 $0x1BF5;
	p2 =	por !p2, p0  }
0x20: {  	[sflag:s8] =	ssyncset.s32 @!p0 $0xFFFFF086;
	s6 =	sadd.s32 @!p0 s3, s7;
	s7 =	simm.s32 @!p0 $0x108  }
0x21: {  	s3 =	sadd.s32 s3, s9;
	s6 =	sadd.s32 @!p0 $0x88, s6;
	s7 =	simm.s32 @p2 $0x1082  }
0x22: {  	[simem:s7], [sflag:s8] =	dma.local @!p0 [hbm:s6], $0xF7A  }
0x23: {  	s9 =	sor.u32 $0xD0000000, s2;
	s6 =	simm.s32 $0x108;
	_ =	swait.ge @!p0 [sflag:s8], $0x0  }
0x24: {  	s3 =	sadd.s32 $0x88, s3;
	s6 =	simm.s32 @!p1 $0x1082;
	[sflag:s4] =	ssyncset.s32 $0xFFFFF086  }
0x25: {  	[simem:s6], [sflag:s4] =	dma.local [hbm:s3], $0xF7A  }
0x26: {  	[smem:$0x3F9F] =	sst s1;
	(tag) =	ssettag s2;
	_ =	strace s9  }
0x27: {  	s1 =	sld [smem:$0x3FAF]  }
0x28: {  	s2 =	sld [smem:$0x3FB0]  }
0x29: {  	s4 =	sld [smem:$0x3FB2]  }
0x2a: {  	p0 =	seq.s32 s5, $0x0;
	s5 =	sld [smem:$0x3FB3]  }
0x2b: {  	s6 =	sld [smem:$0x3FB4]  }
0x2c: {  	s7 =	sld [smem:$0x3FB5]  }
0x2d: {  	s3 =	simm.s32 $0x108;
	s8 =	sld [smem:$0x3FB6]  }
0x2e: {  	s3 =	simm.s32 @!p0 $0x1082;
	s9 =	sld [smem:$0x3FB7]  }
0x2f: {  	lr =	sadd.s32 s0, s3;
	s0 =	sld [smem:$0x3FAE]  }
0x30: {  	s3 =	sld [smem:$0x3FB1]  }
0x31: {  	[smem:$0x3FBA] =	sst s10  }
0x32: {  	s10 =	sld [smem:$0x3FB8];
	_ =	sdelay $0x3  }
0x33: {  	p0 =	seq.s32 s10, $0x1;
	s10 =	sld [smem:$0x3FBA];
	_ =	sdelay $0x3  }
0x34: {  	[smem:$0x3FBA] =	sst s10  }
0x35: {  	s10 =	sld [smem:$0x3FB9];
	_ =	sdelay $0x3  }
0x36: {  	p1 =	seq.s32 s10, $0x1;
	s10 =	sld [smem:$0x3FBA];
	_ =	sdelay $0x3  }
0x37: {  	[smem:$0x3FBA] =	sst s10  }
0x38: {  	s10 =	sld [smem:$0x3FBB]  }
0x39: {  	_ = 	snop;
	(pc) =	sbr.ind lr, $3  }
0x3a: {  	_ = 	snop  }
0x3b: {  	_ = 	snop  }
0x3c: {  	p2 =	seq.s32 s10, $0x1;
	s10 =	sld [smem:$0x3FBA]  }
0x3d: {  	_ =	shalt  }
0x3e: {  	_ =	shalt  }
0x3f: {  	_ =	shalt  }
0x40: {  	_ =	shalt  }
0x41: {  	_ =	shalt  }
0x42: {  	_ =	shalt  }
0x43: {  	_ =	shalt  }
0x44: {  	_ =	shalt  }
0x45: {  	_ =	shalt  }
0x46: {  	_ =	shalt  }
0x47: {  	_ =	shalt  }
0x48: {  	_ =	shalt  }
0x49: {  	_ =	shalt  }
0x4a: {  	_ =	shalt  }
0x4b: {  	_ =	shalt  }
0x4c: {  	_ =	shalt  }
0x4d: {  	_ =	shalt  }
0x4e: {  	_ =	shalt  }
0x4f: {  	_ =	shalt  }
0x50: {  	_ =	shalt  }
0x51: {  	_ =	shalt  }
0x52: {  	_ =	shalt  }
0x53: {  	_ =	shalt  }
0x54: {  	_ =	shalt  }
0x55: {  	_ =	shalt  }
0x56: {  	_ =	shalt  }
0x57: {  	_ =	shalt  }
0x58: {  	_ =	shalt  }
0x59: {  	_ =	shalt  }
0x5a: {  	_ =	shalt  }
0x5b: {  	_ =	shalt  }
0x5c: {  	_ =	shalt  }
0x5d: {  	_ =	shalt  }
0x5e: {  	_ =	shalt  }
0x5f: {  	_ =	shalt  }
0x60: {  	_ =	shalt  }
0x61: {  	_ =	shalt  }
0x62: {  	_ =	shalt  }
0x63: {  	_ =	shalt  }
0x64: {  	_ =	shalt  }
0x65: {  	_ =	shalt  }
0x66: {  	_ =	shalt  }
0x67: {  	_ =	shalt  }
0x68: {  	_ =	shalt  }
0x69: {  	_ =	shalt  }
0x6a: {  	_ =	shalt  }
0x6b: {  	_ =	shalt  }
0x6c: {  	_ =	shalt  }
0x6d: {  	_ =	shalt  }
0x6e: {  	_ =	shalt  }
0x6f: {  	_ =	shalt  }
0x70: {  	_ =	shalt  }
0x71: {  	_ =	shalt  }
0x72: {  	_ =	shalt  }
0x73: {  	_ =	shalt  }
0x74: {  	_ =	shalt  }
0x75: {  	_ =	shalt  }
0x76: {  	_ =	shalt  }
0x77: {  	_ =	shalt  }
0x78: {  	_ =	shalt  }
0x79: {  	_ =	shalt  }
0x7a: {  	_ =	shalt  }
0x7b: {  	_ =	shalt  }
0x7c: {  	_ =	shalt  }
0x7d: {  	_ =	shalt  }
0x7e: {  	_ =	shalt  }
0x7f: {  	_ =	shalt  }
0x80: {  	_ =	shalt  }
0x81: {  	_ =	shalt  }
0x82: {  	_ =	shalt  }
0x83: {  	_ =	shalt  }
0x84: {  	_ =	shalt  }
0x85: {  	_ =	shalt  }
0x86: {  	_ =	shalt  }
0x87: {  	_ =	shalt  }
.Lfunc_end0:
.L_simem_size_0:
called_computation_lowered:
.L_overlay_start_0:
0x88: {  	s2 =	sld [smem:$0x3FD9]  }
0x89: {  	s3 =	sld [smem:$0x3FFE];
	_ =	sdelay $0x1  }
0x8a: {  	s1 =	srdreg.scid  }
0x8b: {  	s0 =	sand.u32 $0x1, s1  }
0x8c: {  	s18 =	sshll.u32 s0, $0xA;
	s2 =	sadd.s32 s3, s2  }
0x8d: {  	s2 =	sadd.s32 s2, s18  }
0x8e: {  	[smem:$0x3FC6] =	sst s2  }
0x8f: {  	_ = 	snop  }
0x90: {  	s2 =	sld [smem:$0x3FC9]  }
0x91: {  	s19 =	sld [smem:$0x3FC8]  }
0x92: {  	s4 =	sld [smem:$0x3FD0];
	(tm) =	ssettm $0x1  }
0x93: {  	s5 =	sld [smem:$0x3FFB];
	_ =	sdelay $0x3  }
0x94: {  	_ =	strace s5  }
0x95: {  	s5 =	sld [smem:$0x3FFC];
	_ =	sdelay $0x3  }
0x96: {  	_ =	strace s5  }
0x97: {  	s5 =	sld [smem:$0x3FFD];
	_ =	sdelay $0x3  }
0x98: {  	_ =	strace s5  }
0x99: {  	_ =	strace $0x8FFFFFFF  }
0x9a: {  	s20 =	sld [smem:$0x3FDB];
	_ =	sdelay $0x1  }
0x9b: {  	s6 =	simm.s32 $_scs_section_size  }
0x9c: {  	s7 =	simm.s32 $_size__tile_overlayer_lowered;
	s8 =	simm.s32 $_tile_overlayer_lowered  }
0x9d: {  	s23 =	simm.s32 $0x1BFF;
	s22 =	sshll.u32 s8, $0x1;
	s5 =	sadd.s32 s6, s20  }
0x9e: {  	s9 =	simm.s32 $0x0;
	s21 =	sshll.u32 s7, $0x1;
	s7 =	sadd.s32 s22, s5  }
0x9f: {  	[timem:s9], [sflag:s23] =	dma.local [hbm:s7], s21  }
0xa0: {  	_ =	swait.ge [sflag:s23], s21  }
0xa1: {  	s6 =	ssub.s32 $0x0, s21;
	[sflag:s23] =	ssyncset.done $0x0  }
0xa2: {  	[sflag:s23] =	ssyncadd.s32 s6;
	_ =	sdelay $0x1  }
0xa3: {  	s24 =	simm.s32 $0x1B8B  }
0xa4: {  	_ =	swait.ge [sflag:s24], $0x1  }
0xa5: {  	[sflag:s24] =	ssyncset.done $0x0  }
0xa6: {  	s25 =	simm.s32 $0x1B8E;
	[sflag:s24] =	ssyncadd.s32 $0xFFFFFFFF  }
0xa7: {  	s26 =	simm.s32 $execute0_lowered;
	[smem:$0x3FD2] =	sst s25  }
0xa8: {  	s6 =	sshll.u32 s26, $0x1;
	_ =	strace $0x80000046;
	[dreg:$0x1] =	wrdreg $0xFFFFFFFF  }
0xa9: {  	s28 =	simm.s32 $_size_execute0_lowered;
	s5 =	sadd.s32 s5, s6;
	[dreg:$0x0] =	wrdreg $0x0  }
0xaa: {  	s6 =	sshll.u32 s28, $0x1;
	[dreg:$0x2] =	wrdreg s5  }
0xab: {  	[dreg:$0x3] =	wrdreg s6  }
0xac: {  	[dreg:$0x4] =	wrdreg $0xC0  }
0xad: {  	_ =	task [dreg:s9], $0x5FFFF  }
0xae: {  	[dreg:$0x1] =	wrdreg $0xFFFFFFFF  }
0xaf: {  	[dreg:$0x0] =	wrdreg $0x60  }
0xb0: {  	[dreg:$0x2] =	wrdreg s2  }
0xb1: {  	[dreg:$0x3] =	wrdreg s19  }
0xb2: {  	[dreg:$0x4] =	wrdreg s4  }
0xb3: {  	[dreg:$0x5] =	wrdreg $0x0  }
0xb4: {  	[dreg:$0x6] =	wrdreg $0x9  }
0xb5: {  	_ =	task.clear_ibuf [dreg:s9], $0x7FFFF;
	_ =	strace $0x90000046  }
0xb6: {  	s29 =	simm.s32 $0x9;
	_ =	strace $0x80000048  }
0xb7: {  	_ =	swait.ge [sflag:s29], $0x1  }
0xb8: {  	[sflag:s29] =	ssyncadd.s32 $0xFFFFFFFF  }
0xb9: {  	_ =	strace $0x90000048  }
0xba: {  	_ =	sfence  }
0xbb: {  	s30 =	sld [smem:$0x0];
	_ =	sdelay $0x2  }
0xbc: {  	s31 =	sshll.u32 s1, $0xD;
	s1 =	sshrl.u32 s1, $0x2  }
0xbd: {  	s3 =	sand.u32 $0x4000, s31;
	s1 =	sadd.s32 s1, s30  }
0xbe: {  	s0 =	sor.u32 s3, s0;
	s1 =	sshll.u32 s1, $0x11  }
0xbf: {  	s0 =	sor.u32 s1, s0  }
0xc0: {  	s0 =	sadd.s32 $0x8F2B, s0  }
0xc1: {  	[sflag:s0] =	ssyncadd.remote.s32 $0x1  }
0xc2: {  	_ =	sfence.sel $0xFFFF  }
0xc3: {  	[dreg:$0x0] =	wrdreg $0xFFFFFFFF;
	(pc) =	sbr.abs _section_cstart, $3  }
0xc4: {  	[dreg:$0x1] =	wrdreg $0xFFFFFFFF  }
0xc5: {  	_ =	task.clear_ibuf [dreg:s9], $0x2FFFF;
	_ =	strace $0x9FFFFFFF  }
0xc6: {  	(tm) =	ssettm $0x7FFFFFFF  }
0xc7: {  	_ =	shalt  }
tec
execute0_lowered:
.L_overlay_start_1:
0x0: {  	(tag) =	ssettag $0x1  }
0x1: {  	s4 =	rddreg [dreg:$0x0]  }
0x2: {  	s6 =	rddreg [dreg:$0x1]  }
0x3: {  	s11 =	rddreg [dreg:$0x2]  }
0x4: {  	s1 =	rddreg [dreg:$0x3]  }
0x5: {  	s2 =	srdreg.scid;
	s0 =	rddreg [dreg:$0x4];
	s3 =	simm.s32 $0x0  }
0x6: {  	s16 =	simm.s32 $0x16400;
	s17 =	simm.s32 $0x10080;
	s18 =	simm.s32 $0x1A400  }
0x7: {  	s19 =	simm.s32 $0x1;
	s20 =	simm.s32 $0x2;
	s21 =	simm.s32 $0x3  }
0x8: {  	s22 =	simm.s32 $0x4;
	s5 =	sand.u32 $0x1, s2;
	s2 =	stileid.u32  }
0x9: {  	s23 =	simm.s32 $0x0;
	[smem:$0x7FF] =	sst s3;
	s13 =	smul.u32 $0x640000, s5  }
0xa: {  	s7 =	sshll.u32 s5, $0x4;
	s8 =	ssub.s32 $0x2, s5;
	s14 =	smul.u32 $0x3200000, s5  }
0xb: {  	_ =	strace $0x80000047;
	s24 =	sshll.u32 s2, $0x10;
	s28 =	smul.u32 $0x320000, s2  }
0xc: {  	s25 =	sshll.u32 s2, $0xD;
	s26 =	sshll.u32 s2, $0x6;
	s15 =	smul.u32 $0x64000, s2  }
0xd: {  	s7 =	sor.u32 s2, s7;
	s9 =	sshrl.u32 s8, $0x1;
	s12 =	sadd.s32 s24, s1  }
0xe: {  	s4 =	sadd.s32 s4, s25;
	s5 =	sor.u32 $0x1C05, s26;
	s10 =	smul.u32 $0xC80, s7  }
0xf: {  	s9 =	ssub.s32 s8, s9;
	s7 =	smul.u32 $0x320000, s7;
	s13 =	sadd.s32 s13, s11  }
0x10: {  	s14 =	sadd.s32 s28, s14;
	s12 =	sshrl.u32 s12, $0x3;
	s30 =	sadd.s32 s15, s13  }
0x11: {  	s31 =	sshrl.u32 s14, $0x3;
	s9 =	smax.u32 s9, $0x1;
	s13 =	simm.s32 $0x5  }
0x12: {  	s14 =	simm.s32 $0x10000;
	s15 =	simm.s32 $0x80;
	s7 =	sshrl.u32 s7, $0x3  }
0x13: {  	s6 =	sadd.s32 s6, s10;
	s10 =	sadd.s32 $0x800, s30;
	s29 =	sadd.s32 s11, s7  }
0x14: {  	s11 =	sadd.s32 s31, s11;
	s7 =	sadd.s32 $0x63000, s29;
	s8 =	sadd.s32 $0x63800, s29  }
.LBB2_1:
0x15: {  	[spmem:s12], [sflag:s5] =	dma.local [hbm:s4], $0x2000  }
0x16: {  	_ =	swait.ge [sflag:s13], $0x2000  }
0x17: {  	[sflag:s13] =	ssyncset.done $0x0  }
0x18: {  	[sflag:s13] =	ssyncadd.s32 $0xFFFFE000  }
0x19: {  	[tilespmem:s14], [sflag:$0x5] =	stream.linear.gather [hbm4b:s6+s3], $0x6400, $0x38;
	[tilespmem:$0x1E400] =	vst v63  }
0x1a: {  	_ =	swait.ge [sflag:s13], $0x6400  }
0x1b: {  	[sflag:s13] =	ssyncset.done $0x0  }
0x1c: {  	[sflag:s13] =	ssyncadd.s32 $0xFFFF9C00  }
0x1d: {  	[bflag:$0x0] =	sbarrier.arrive $0xFFFF  }
0x1e: {  	[tilespmem:s16], [sflag:$0x1] =	stream.indirect.gather [spmem:s1], $0x80, s14, s15, $0xb8;
	[tilespmem:$0x1E400] =	vst v63  }
0x1f: {  	_ = 	snop  }
0x20: {  	[tilespmem:s18], [sflag:$0x2] =	stream.indirect.gather [spmem:s1], $0x80, s17, s15, $0xb8;
	[tilespmem:$0x1E400] =	vst v63  }
0x21: {  	_ =	swait.ge [sflag:s19], $0x4000  }
0x22: {  	[sflag:s19] =	ssyncset.done $0x0  }
0x23: {  	s24 =	sadd.s32 $0x0, s11;
	[sflag:s19] =	ssyncadd.s32 $0xFFFFC000  }
0x24: {  	[hbm4b:s24+s3] =	stream.linear.scatter [tilespmem:s16], [sflag:$0x3], $0x4000, $0x38;
	[tilespmem:$0x1E400] =	vst v63  }
0x25: {  	_ =	swait.ge [sflag:s20], $0x4000  }
0x26: {  	[sflag:s20] =	ssyncset.done $0x0  }
0x27: {  	s30 =	sadd.s32 $0x0, s10;
	[sflag:s20] =	ssyncadd.s32 $0xFFFFC000  }
0x28: {  	[hbm4b:s30+s3] =	stream.linear.scatter [tilespmem:s18], [sflag:$0x4], $0x4000, $0x38;
	[tilespmem:$0x1E400] =	vst v63  }
0x29: {  	_ =	swait.ge [sflag:s21], $0x4000  }
0x2a: {  	[sflag:s21] =	ssyncset.done $0x0  }
0x2b: {  	s31 =	simm.s32 $0x10100;
	[sflag:s21] =	ssyncadd.s32 $0xFFFFC000  }
0x2c: {  	[tilespmem:s16], [sflag:$0x1] =	stream.indirect.gather [spmem:s1], $0x80, s31, s15, $0xb8;
	[tilespmem:$0x1E400] =	vst v63  }
0x2d: {  	_ =	swait.ge [sflag:s22], $0x4000  }
0x2e: {  	s25 =	simm.s32 $0x1000;
	[sflag:s22] =	ssyncset.done $0x0  }
0x2f: {  	s26 =	simm.s32 $0x10280;
	s24 =	simm.s32 $0x10180;
	[sflag:s22] =	ssyncadd.s32 $0xFFFFC000  }
.LBB2_2:
0x30: {  	[tilespmem:s18], [sflag:$0x2] =	stream.indirect.gather [spmem:s1], $0x80, s24, s15, $0xb8;
	[tilespmem:$0x1E400] =	vst v63  }
0x31: {  	s28 =	smov.u32 s25;
	s24 =	smov.u32 s26  }
0x32: {  	p0 =	sne.s32 s25, $0x62000;
	s25 =	sadd.s32 $0x1000, s25;
	_ =	swait.ge [sflag:s19], $0x4000  }
0x33: {  	[sflag:s19] =	ssyncset.done $0x0  }
0x34: {  	s29 =	sadd.s32 s28, s11;
	[sflag:s19] =	ssyncadd.s32 $0xFFFFC000  }
0x35: {  	[hbm4b:s29+s3] =	stream.linear.scatter [tilespmem:s16], [sflag:$0x3], $0x4000, $0x38;
	[tilespmem:$0x1E400] =	vst v63  }
0x36: {  	_ =	swait.ge [sflag:s20], $0x4000  }
0x37: {  	[sflag:s20] =	ssyncset.done $0x0  }
0x38: {  	s28 =	sadd.s32 s28, s10;
	[sflag:s20] =	ssyncadd.s32 $0xFFFFC000  }
0x39: {  	[hbm4b:s28+s3] =	stream.linear.scatter [tilespmem:s18], [sflag:$0x4], $0x4000, $0x38;
	[tilespmem:$0x1E400] =	vst v63  }
0x3a: {  	_ =	swait.ge [sflag:s21], $0x4000  }
0x3b: {  	[sflag:s21] =	ssyncset.done $0x0  }
.Ltmp0:
0x3c: {  	s28 =	sadd.s32 $0xFFFFFF80, s26;
	[sflag:s21] =	ssyncadd.s32 $0xFFFFC000;
	(pc) =	sbr.rel @p0 .LBB2_2-.Ltmp0, $4  }
0x3d: {  	[tilespmem:s16], [sflag:$0x1] =	stream.indirect.gather [spmem:s1], $0x80, s28, s15, $0xb8;
	[tilespmem:$0x1E400] =	vst v63  }
0x3e: {  	_ =	swait.ge [sflag:s22], $0x4000  }
0x3f: {  	[sflag:s22] =	ssyncset.done $0x0  }
0x40: {  	s26 =	sadd.s32 $0x100, s26;
	[sflag:s22] =	ssyncadd.s32 $0xFFFFC000  }
0x41: {  	[tilespmem:s18], [sflag:$0x2] =	stream.indirect.gather [spmem:s1], $0x80, s24, s15, $0xb8;
	[tilespmem:$0x1E400] =	vst v63  }
0x42: {  	_ =	swait.ge [sflag:s19], $0x4000  }
0x43: {  	[sflag:s19] =	ssyncset.done $0x0  }
0x44: {  	[sflag:s19] =	ssyncadd.s32 $0xFFFFC000  }
0x45: {  	[hbm4b:s7+s3] =	stream.linear.scatter [tilespmem:s16], [sflag:$0x3], $0x4000, $0x38;
	[tilespmem:$0x1E400] =	vst v63  }
0x46: {  	_ =	swait.ge [sflag:s20], $0x4000  }
0x47: {  	[sflag:s20] =	ssyncset.done $0x0  }
0x48: {  	s23 =	sadd.s32 $0x1, s23;
	[sflag:s20] =	ssyncadd.s32 $0xFFFFC000  }
0x49: {  	[hbm4b:s8+s3] =	stream.linear.scatter [tilespmem:s18], [sflag:$0x4], $0x4000, $0x38;
	[tilespmem:$0x1E400] =	vst v63  }
0x4a: {  	p0 =	sne.s32 s23, s9;
	_ =	swait.ge [sflag:s21], $0x4000  }
.Ltmp1:
0x4b: {  	[sflag:s21] =	ssyncset.done $0x0;
	(pc) =	sbr.rel @p0 .LBB2_1-.Ltmp1, $4  }
0x4c: {  	[sflag:s21] =	ssyncadd.s32 $0xFFFFC000  }
0x4d: {  	_ =	swait.ge [sflag:s22], $0x4000  }
0x4e: {  	[sflag:s22] =	ssyncset.done $0x0  }
0x4f: {  	[sflag:s22] =	ssyncadd.s32 $0xFFFFC000  }
0x50: {  	_ =	sfence.sel $0x180000  }
0x51: {  	[bflag:$0x0] =	sbarrier.arrive $0xFFFF  }
0x52: {  	p0 =	sne.s32 s2, $0x0;
	_ =	strace $0x90000047  }
0x53: {  	s0 =	sadd.s32 @!p0 $0x100000, s0;
	[bflag:$0x2] =	sbarrier.arrive $0xFFFF  }
0x54: {  	[sflag:s0] =	ssyncadd.tile.s32 @!p0 $0x1;
	_ =	shalt  }
.Lfunc_end2:
_tile_overlayer_lowered:
.L_overlay_start_2:
0x55: {  	(tag) =	ssettag $0x2  }
0x56: {  	s0 =	rddreg [dreg:$0x0];
	s2 =	stileid.u32  }
0x57: {  	s1 =	rddreg [dreg:$0x1];
	p0 =	sne.s32 s2, $0x0  }
0x58: {  	s3 =	rddreg [dreg:$0x2];
	[bflag:$0x3] =	sbarrier.arrive $0xFFFF;
	s2 =	simm.s32 @!p0 $0x1C05  }
0x59: {  	[timem:s3], [sflag:s2] =	dma.local @!p0 [hbm:s0], s1  }
0x5a: {  	s0 =	simm.s32 @!p0 $0x5  }
0x5b: {  	_ =	swait.ge @!p0 [sflag:s0], s1  }
0x5c: {  	s1 =	ssub.s32 @!p0 $0x0, s1;
	[sflag:s0] =	ssyncset.done @!p0 $0x0  }
0x5d: {  	[sflag:s0] =	ssyncadd.s32 @!p0 s1  }
0x5e: {  	[bflag:$0x3] =	sbarrier.arrive $0xFFFF  }
0x5f: {  	_ =	shalt  }

</sc_bundles>
